<compile_context>
chip_gen: v7x
topology: tpu7x:2x2x1
jax: 0.10.2.dev20260603
libtpu: 0.0.44.dev20260713+nightly
codegen_flags: <defaults>
</compile_context>

<pallas_src>
import functools

import jax
import jax.numpy as jnp
import numpy as np
from jax import lax
from jax.experimental import pallas as pl
from jax.experimental.pallas import tpu as pltpu
from jax.experimental.pallas import tpu_sc as plsc

NUM_PATCHES = 1024
D_MODEL = 768
MASK_TOKEN = -100.0


_MASK_PACKED_HEX = (
    "dd18718abad82016ac254256c0b948a9e5eed0a749ebc76193d3b216f7449c0e"
    "b937703ff62680092bcadad2ecea1449d65e6f392e8a801cd79063d9f02ee453"
    "a673349058e24a25b434700497fbb2a6a7c580fb2ce90b65e3efcb0b998f069d"
    "48672026bd2b6684549297a04c8472d156a2bf5b18bfd0ca122850643e7c6ebf"
)

_MASK_NP = np.unpackbits(
    np.frombuffer(bytes.fromhex(_MASK_PACKED_HEX), dtype=np.uint8)
).astype(bool)[:NUM_PATCHES]

NW = 32
KPW = 16
FILL_ROWS = 8


def _build_index_tables():
    kept = np.nonzero(_MASK_NP)[0].astype(np.int32)
    masked = np.nonzero(~_MASK_NP)[0].astype(np.int32)
    kept_pad = np.full((NW * KPW,), kept[0], dtype=np.int32)
    kept_pad[: kept.size] = kept
    n_chunks = -(-masked.size // FILL_ROWS)
    masked_pad = np.full((n_chunks * FILL_ROWS,), masked[0], dtype=np.int32)
    masked_pad[: masked.size] = masked
    slots = -(-n_chunks // NW)
    table = np.full((slots * NW * FILL_ROWS,), masked[0], dtype=np.int32)
    table[: masked_pad.size] = masked_pad
    return kept_pad, table, n_chunks, slots


_KEPT_PAD, _MASKED_TABLE, _N_CHUNKS, _N_SLOTS = _build_index_tables()


def _sc_body(x_hbm, kidx_hbm, midx_hbm, mask_hbm, out_hbm, outmask_hbm,
             kidx_v, midx_vs, rows_v, fill_v, mask_v, sem_i, sem_g, sem_s):
    wid = lax.axis_index("s") * 2 + lax.axis_index("c")

    pltpu.sync_copy(kidx_hbm.at[pl.ds(wid * KPW, KPW)], kidx_v)
    gather = pltpu.async_copy(x_hbm.at[kidx_v], rows_v, sem_g)

    for t in range(_N_SLOTS):
        c = t * NW + wid

        @pl.when(c < _N_CHUNKS)
        def _load():
            pltpu.async_copy(
                midx_hbm.at[pl.ds(pl.multiple_of(c * FILL_ROWS, 8), FILL_ROWS)],
                midx_vs[t], sem_i)

    token = jnp.full((16,), MASK_TOKEN, dtype=jnp.float32)

    def _fill(j, _):
        for r in range(FILL_ROWS):
            fill_v[r, pl.ds(j * 16, 16)] = token
        return _

    lax.fori_loop(0, D_MODEL // 16, _fill, None)

    for t in range(_N_SLOTS):
        c = t * NW + wid

        @pl.when(c < _N_CHUNKS)
        def _wait_load():
            pltpu.make_async_copy(
                midx_hbm.at[pl.ds(pl.multiple_of(c * FILL_ROWS, 8), FILL_ROWS)],
                midx_vs[t], sem_i).wait()

    for t in range(_N_SLOTS):
        c = t * NW + wid

        @pl.when(c < _N_CHUNKS)
        def _scatter():
            pltpu.async_copy(fill_v, out_hbm.at[midx_vs[t]], sem_s)

    gather.wait()
    kept_sc = pltpu.async_copy(rows_v, out_hbm.at[kidx_v], sem_g)

    @pl.when(wid == 0)
    def _mask_out():
        pltpu.sync_copy(mask_hbm, mask_v)
        pltpu.sync_copy(mask_v, outmask_hbm)

    for t in range(_N_SLOTS):
        c = t * NW + wid

        @pl.when(c < _N_CHUNKS)
        def _drain():
            pltpu.make_async_copy(fill_v, out_hbm.at[midx_vs[t]], sem_s).wait()

    kept_sc.wait()


@functools.cache
def _sc_call():
    return functools.partial(
        pl.kernel,
        out_type=(
            jax.ShapeDtypeStruct((NUM_PATCHES, D_MODEL), jnp.float32),
            jax.ShapeDtypeStruct((NUM_PATCHES,), jnp.bool_),
        ),
        mesh=plsc.VectorSubcoreMesh(core_axis_name="c", subcore_axis_name="s"),
        scratch_types=[
            pltpu.VMEM((KPW,), jnp.int32),
            [pltpu.VMEM((FILL_ROWS,), jnp.int32) for _ in range(_N_SLOTS)],
            pltpu.VMEM((KPW, D_MODEL), jnp.float32),
            pltpu.VMEM((FILL_ROWS, D_MODEL), jnp.float32),
            pltpu.VMEM((NUM_PATCHES,), jnp.bool_),
            pltpu.SemaphoreType.DMA,
            pltpu.SemaphoreType.DMA,
            pltpu.SemaphoreType.DMA,
        ],
    )(_sc_body)


@jax.jit
def kernel(x):
    kidx = jnp.asarray(_KEPT_PAD)
    midx = jnp.asarray(_MASKED_TABLE)
    mask = jnp.asarray(_MASK_NP)
    patched, mask_out = _sc_call()(x, kidx, midx, mask)
    return patched, mask_out

# --- scband reference (transcript-rebuilt; emitter-appended) ---
"""Pipeline reference for scband-mask-transform-88682484728457 (READ-ONLY COPY).

The authoritative reference and input builder live on the scoring server;
editing this copy changes nothing except your own understanding.
"""

import jax, jax.numpy as jnp
import numpy as np

NUM_PATCHES = 1024
MASK_RATIO = 0.75
MASK_TOKEN = -100
USE_MASK = True


def setup_inputs(seed: int = 0) -> dict:
    key = jax.random.key(seed)
    x = jax.random.normal(key, (NUM_PATCHES, 768), dtype=jnp.float32)
    return {"x": x}


def reference(x):
    num_patches_to_mask = int(NUM_PATCHES * MASK_RATIO)
    # torch.distributions.Uniform(0, num_patches).sample((n,)) -> float samples,
    # used as indices (truncated to int)
    k = jax.random.key(42)
    patch_indices = jax.random.uniform(
        k, (num_patches_to_mask,), minval=0.0, maxval=float(NUM_PATCHES)
    ).astype(jnp.int32)
    patch_mask = jnp.ones((NUM_PATCHES,), dtype=bool).at[patch_indices].set(False)
    if USE_MASK:
        # patched_image[~patch_mask, :] = mask_token  (scatter-overwrite)
        patched_image = jnp.where(
            patch_mask[:, None], x, jnp.asarray(MASK_TOKEN, dtype=x.dtype)
        )
    else:
        patched_image = x[patch_mask]
    return patched_image, patch_mask

if __name__ == "__main__":
    import jax
    _d = setup_inputs()
    print(jax.jit(kernel)(*tuple(_d.values())))

</pallas_src>

<mosaic_0001>
#map = affine_map<(d0, d1) -> (0, 0)>
#map1 = affine_map<(d0, d1) -> (0)>
module attributes {stable_mosaic.version = 14 : i64} {
  func.func @_sc_body(%arg0: i32, %arg1: i32, %arg2: memref<1024x768xf32, #tpu.memory_space<hbm>>, %arg3: memref<512xi32, #tpu.memory_space<hbm>>, %arg4: memref<768xi32, #tpu.memory_space<hbm>>, %arg5: memref<1024xi32, #tpu.memory_space<hbm>>, %arg6: memref<1024x768xf32, #tpu.memory_space<hbm>>, %arg7: memref<1024xi32, #tpu.memory_space<hbm>>, %arg8: memref<16xi32, #tpu.memory_space<vmem>>, %arg9: memref<8xi32, #tpu.memory_space<vmem>>, %arg10: memref<8xi32, #tpu.memory_space<vmem>>, %arg11: memref<8xi32, #tpu.memory_space<vmem>>, %arg12: memref<16x768xf32, #tpu.memory_space<vmem>>, %arg13: memref<8x768xf32, #tpu.memory_space<vmem>>, %arg14: memref<1024xi32, #tpu.memory_space<vmem>>, %arg15: memref<!tpu.dma_semaphore, #tpu.memory_space<semaphore_mem>>, %arg16: memref<!tpu.dma_semaphore, #tpu.memory_space<semaphore_mem>>, %arg17: memref<!tpu.dma_semaphore, #tpu.memory_space<semaphore_mem>>) attributes {dimension_semantics = [#tpu.dimension_semantics<core_parallel>, #tpu.dimension_semantics<subcore_parallel>], iteration_bounds = array<i64: 2, 16>, scalar_prefetch = 0 : i64, scratch_operands = 10 : i64, tpu.core_type = #tpu.core_type<sc_vector_subcore>, window_params = [{transform_indices = #map}, {transform_indices = #map1}, {transform_indices = #map1}, {transform_indices = #map1}, {transform_indices = #map}, {transform_indices = #map1}]} {
    %mul3A = arith.constant 2 : i32
    %mul3A_0 = arith.muli %arg1, %mul3A : i32
    %add3A = arith.addi %mul3A_0, %arg0 : i32
    %mul3A_1 = arith.constant 16 : i32
    %mul3A_2 = arith.muli %add3A, %mul3A_1 : i32
    "tpu.region"() ({
      %run_scoped3A = tpu.sem_alloc : memref<!tpu.dma_semaphore, #tpu.memory_space<semaphore_mem>>
      %dma_start3A_103 = tpu.memref_slice %arg3[%mul3A_2] : memref<512xi32, #tpu.memory_space<hbm>> -> memref<16xi32, #tpu.memory_space<hbm>>
      %dma_start3A_104 = tpu.memref_slice %arg3[%mul3A_2] : memref<512xi32, #tpu.memory_space<hbm>> -> memref<16xi32, #tpu.memory_space<hbm>>
      tpu.enqueue_dma source(%dma_start3A_104 : memref<16xi32, #tpu.memory_space<hbm>>) target(%arg8 : memref<16xi32, #tpu.memory_space<vmem>>) target_semaphore(%run_scoped3A : memref<!tpu.dma_semaphore, #tpu.memory_space<semaphore_mem>>)
      %dma_wait3A_105 = tpu.memref_slice %arg3[%mul3A_2] : memref<512xi32, #tpu.memory_space<hbm>> -> memref<16xi32, #tpu.memory_space<hbm>>
      %dma_wait3A_106 = tpu.memref_slice %arg3[%mul3A_2] : memref<512xi32, #tpu.memory_space<hbm>> -> memref<16xi32, #tpu.memory_space<hbm>>
      tpu.wait_dma2 semaphore(%run_scoped3A : memref<!tpu.dma_semaphore, #tpu.memory_space<semaphore_mem>>) src(%dma_wait3A_106 : memref<16xi32, #tpu.memory_space<hbm>>) dst(%arg8 : memref<16xi32, #tpu.memory_space<vmem>>)
      tpu.yield
    }) : () -> ()
    %dma_start3A = arith.constant 0 : i32
    %dma_start3A_3 = arith.constant 0 : i32
    %dma_start3A_4 = tpu.memref_slice %arg2[%dma_start3A, %dma_start3A_3] : memref<1024x768xf32, #tpu.memory_space<hbm>> -> memref<1024x768xf32, #tpu.memory_space<hbm>>
    tpu.enqueue_indirect_dma source(%dma_start3A_4 : memref<1024x768xf32, #tpu.memory_space<hbm>>) target(%arg12 : memref<16x768xf32, #tpu.memory_space<vmem>>) offsets(%arg8 : memref<16xi32, #tpu.memory_space<vmem>>) semaphore(%arg16 : memref<!tpu.dma_semaphore, #tpu.memory_space<semaphore_mem>>)
    %add3A_5 = arith.constant 0 : i32
    %add3A_6 = arith.addi %add3A_5, %add3A : i32
    %lt3A = arith.constant 67 : i32
    %lt3A_7 = arith.cmpi slt, %add3A_6, %lt3A : i32
    %convert_element_type3A = arith.extui %lt3A_7 : i1 to i32
    %cond3A = arith.constant 0 : i32
    %cond3A_8 = arith.cmpi ne, %convert_element_type3A, %cond3A : i32
    scf.if %cond3A_8 {
      %mul3A_103 = arith.constant 8 : i32
      %mul3A_104 = arith.muli %add3A_6, %mul3A_103 : i32
      %multiple_of3A = tpu.assume_multiple %mul3A_104, 8 : i32
      %dma_start3A_105 = tpu.memref_slice %arg4[%multiple_of3A] : memref<768xi32, #tpu.memory_space<hbm>> -> memref<8xi32, #tpu.memory_space<hbm>>
      %dma_start3A_106 = tpu.memref_slice %arg4[%multiple_of3A] : memref<768xi32, #tpu.memory_space<hbm>> -> memref<8xi32, #tpu.memory_space<hbm>>
      tpu.enqueue_dma source(%dma_start3A_106 : memref<8xi32, #tpu.memory_space<hbm>>) target(%arg9 : memref<8xi32, #tpu.memory_space<vmem>>) target_semaphore(%arg15 : memref<!tpu.dma_semaphore, #tpu.memory_space<semaphore_mem>>)
    } else {
    }
    %add3A_9 = arith.constant 32 : i32
    %add3A_10 = arith.addi %add3A_9, %add3A : i32
    %lt3A_11 = arith.constant 67 : i32
    %lt3A_12 = arith.cmpi slt, %add3A_10, %lt3A_11 : i32
    %convert_element_type3A_13 = arith.extui %lt3A_12 : i1 to i32
    %cond3A_14 = arith.constant 0 : i32
    %cond3A_15 = arith.cmpi ne, %convert_element_type3A_13, %cond3A_14 : i32
    scf.if %cond3A_15 {
      %mul3A_103 = arith.constant 8 : i32
      %mul3A_104 = arith.muli %add3A_10, %mul3A_103 : i32
      %multiple_of3A = tpu.assume_multiple %mul3A_104, 8 : i32
      %dma_start3A_105 = tpu.memref_slice %arg4[%multiple_of3A] : memref<768xi32, #tpu.memory_space<hbm>> -> memref<8xi32, #tpu.memory_space<hbm>>
      %dma_start3A_106 = tpu.memref_slice %arg4[%multiple_of3A] : memref<768xi32, #tpu.memory_space<hbm>> -> memref<8xi32, #tpu.memory_space<hbm>>
      tpu.enqueue_dma source(%dma_start3A_106 : memref<8xi32, #tpu.memory_space<hbm>>) target(%arg10 : memref<8xi32, #tpu.memory_space<vmem>>) target_semaphore(%arg15 : memref<!tpu.dma_semaphore, #tpu.memory_space<semaphore_mem>>)
    } else {
    }
    %add3A_16 = arith.constant 64 : i32
    %add3A_17 = arith.addi %add3A_16, %add3A : i32
    %lt3A_18 = arith.constant 67 : i32
    %lt3A_19 = arith.cmpi slt, %add3A_17, %lt3A_18 : i32
    %convert_element_type3A_20 = arith.extui %lt3A_19 : i1 to i32
    %cond3A_21 = arith.constant 0 : i32
    %cond3A_22 = arith.cmpi ne, %convert_element_type3A_20, %cond3A_21 : i32
    scf.if %cond3A_22 {
      %mul3A_103 = arith.constant 8 : i32
      %mul3A_104 = arith.muli %add3A_17, %mul3A_103 : i32
      %multiple_of3A = tpu.assume_multiple %mul3A_104, 8 : i32
      %dma_start3A_105 = tpu.memref_slice %arg4[%multiple_of3A] : memref<768xi32, #tpu.memory_space<hbm>> -> memref<8xi32, #tpu.memory_space<hbm>>
      %dma_start3A_106 = tpu.memref_slice %arg4[%multiple_of3A] : memref<768xi32, #tpu.memory_space<hbm>> -> memref<8xi32, #tpu.memory_space<hbm>>
      tpu.enqueue_dma source(%dma_start3A_106 : memref<8xi32, #tpu.memory_space<hbm>>) target(%arg11 : memref<8xi32, #tpu.memory_space<vmem>>) target_semaphore(%arg15 : memref<!tpu.dma_semaphore, #tpu.memory_space<semaphore_mem>>)
    } else {
    }
    %broadcast_in_dim3A = arith.constant -1.000000e+02 : f32
    %broadcast_in_dim3A_23 = vector.broadcast %broadcast_in_dim3A : f32 to vector<16xf32>
    %scan3A = arith.constant 0 : i32
    %scan3A_24 = arith.constant 48 : i32
    %scan3A_25 = arith.addi %scan3A, %scan3A_24 : i32
    %scan3A_26 = arith.constant 1 : i32
    scf.for %scan3A_103 = %scan3A to %scan3A_25 step %scan3A_26  : i32 {
      %mul3A_104 = arith.constant 16 : i32
      %mul3A_105 = arith.muli %scan3A_103, %mul3A_104 : i32
      %swap3A = arith.constant 0 : i32
      %swap3A_106 = arith.index_cast %swap3A : i32 to index
      %swap3A_107 = arith.index_cast %mul3A_105 : i32 to index
      %swap3A_108 = tpu.vector_load %arg13[%swap3A_106, %swap3A_107] {strides = array<i32>} : memref<8x768xf32, #tpu.memory_space<vmem>>, vector<1x16xf32>,
      %swap3A_109 = vector.shape_cast %swap3A_108 : vector<1x16xf32> to vector<16xf32>
      %swap3A_110 = vector.shape_cast %broadcast_in_dim3A_23 : vector<16xf32> to vector<1x16xf32>
      tpu.vector_store %arg13[%swap3A_106, %swap3A_107], %swap3A_110 {strides = array<i32>} : memref<8x768xf32, #tpu.memory_space<vmem>>, vector<1x16xf32>,
      %mul3A_111 = arith.constant 16 : i32
      %mul3A_112 = arith.muli %scan3A_103, %mul3A_111 : i32
      %swap3A_113 = arith.constant 1 : i32
      %swap3A_114 = arith.index_cast %swap3A_113 : i32 to index
      %swap3A_115 = arith.index_cast %mul3A_112 : i32 to index
      %swap3A_116 = tpu.vector_load %arg13[%swap3A_114, %swap3A_115] {strides = array<i32>} : memref<8x768xf32, #tpu.memory_space<vmem>>, vector<1x16xf32>,
      %swap3A_117 = vector.shape_cast %swap3A_116 : vector<1x16xf32> to vector<16xf32>
      %swap3A_118 = vector.shape_cast %broadcast_in_dim3A_23 : vector<16xf32> to vector<1x16xf32>
      tpu.vector_store %arg13[%swap3A_114, %swap3A_115], %swap3A_118 {strides = array<i32>} : memref<8x768xf32, #tpu.memory_space<vmem>>, vector<1x16xf32>,
      %mul3A_119 = arith.constant 16 : i32
      %mul3A_120 = arith.muli %scan3A_103, %mul3A_119 : i32
      %swap3A_121 = arith.constant 2 : i32
      %swap3A_122 = arith.index_cast %swap3A_121 : i32 to index
      %swap3A_123 = arith.index_cast %mul3A_120 : i32 to index
      %swap3A_124 = tpu.vector_load %arg13[%swap3A_122, %swap3A_123] {strides = array<i32>} : memref<8x768xf32, #tpu.memory_space<vmem>>, vector<1x16xf32>,
      %swap3A_125 = vector.shape_cast %swap3A_124 : vector<1x16xf32> to vector<16xf32>
      %swap3A_126 = vector.shape_cast %broadcast_in_dim3A_23 : vector<16xf32> to vector<1x16xf32>
      tpu.vector_store %arg13[%swap3A_122, %swap3A_123], %swap3A_126 {strides = array<i32>} : memref<8x768xf32, #tpu.memory_space<vmem>>, vector<1x16xf32>,
      %mul3A_127 = arith.constant 16 : i32
      %mul3A_128 = arith.muli %scan3A_103, %mul3A_127 : i32
      %swap3A_129 = arith.constant 3 : i32
      %swap3A_130 = arith.index_cast %swap3A_129 : i32 to index
      %swap3A_131 = arith.index_cast %mul3A_128 : i32 to index
      %swap3A_132 = tpu.vector_load %arg13[%swap3A_130, %swap3A_131] {strides = array<i32>} : memref<8x768xf32, #tpu.memory_space<vmem>>, vector<1x16xf32>,
      %swap3A_133 = vector.shape_cast %swap3A_132 : vector<1x16xf32> to vector<16xf32>
      %swap3A_134 = vector.shape_cast %broadcast_in_dim3A_23 : vector<16xf32> to vector<1x16xf32>
      tpu.vector_store %arg13[%swap3A_130, %swap3A_131], %swap3A_134 {strides = array<i32>} : memref<8x768xf32, #tpu.memory_space<vmem>>, vector<1x16xf32>,
      %mul3A_135 = arith.constant 16 : i32
      %mul3A_136 = arith.muli %scan3A_103, %mul3A_135 : i32
      %swap3A_137 = arith.constant 4 : i32
      %swap3A_138 = arith.index_cast %swap3A_137 : i32 to index
      %swap3A_139 = arith.index_cast %mul3A_136 : i32 to index
      %swap3A_140 = tpu.vector_load %arg13[%swap3A_138, %swap3A_139] {strides = array<i32>} : memref<8x768xf32, #tpu.memory_space<vmem>>, vector<1x16xf32>,
      %swap3A_141 = vector.shape_cast %swap3A_140 : vector<1x16xf32> to vector<16xf32>
      %swap3A_142 = vector.shape_cast %broadcast_in_dim3A_23 : vector<16xf32> to vector<1x16xf32>
      tpu.vector_store %arg13[%swap3A_138, %swap3A_139], %swap3A_142 {strides = array<i32>} : memref<8x768xf32, #tpu.memory_space<vmem>>, vector<1x16xf32>,
      %mul3A_143 = arith.constant 16 : i32
      %mul3A_144 = arith.muli %scan3A_103, %mul3A_143 : i32
      %swap3A_145 = arith.constant 5 : i32
      %swap3A_146 = arith.index_cast %swap3A_145 : i32 to index
      %swap3A_147 = arith.index_cast %mul3A_144 : i32 to index
      %swap3A_148 = tpu.vector_load %arg13[%swap3A_146, %swap3A_147] {strides = array<i32>} : memref<8x768xf32, #tpu.memory_space<vmem>>, vector<1x16xf32>,
      %swap3A_149 = vector.shape_cast %swap3A_148 : vector<1x16xf32> to vector<16xf32>
      %swap3A_150 = vector.shape_cast %broadcast_in_dim3A_23 : vector<16xf32> to vector<1x16xf32>
      tpu.vector_store %arg13[%swap3A_146, %swap3A_147], %swap3A_150 {strides = array<i32>} : memref<8x768xf32, #tpu.memory_space<vmem>>, vector<1x16xf32>,
      %mul3A_151 = arith.constant 16 : i32
      %mul3A_152 = arith.muli %scan3A_103, %mul3A_151 : i32
      %swap3A_153 = arith.constant 6 : i32
      %swap3A_154 = arith.index_cast %swap3A_153 : i32 to index
      %swap3A_155 = arith.index_cast %mul3A_152 : i32 to index
      %swap3A_156 = tpu.vector_load %arg13[%swap3A_154, %swap3A_155] {strides = array<i32>} : memref<8x768xf32, #tpu.memory_space<vmem>>, vector<1x16xf32>,
      %swap3A_157 = vector.shape_cast %swap3A_156 : vector<1x16xf32> to vector<16xf32>
      %swap3A_158 = vector.shape_cast %broadcast_in_dim3A_23 : vector<16xf32> to vector<1x16xf32>
      tpu.vector_store %arg13[%swap3A_154, %swap3A_155], %swap3A_158 {strides = array<i32>} : memref<8x768xf32, #tpu.memory_space<vmem>>, vector<1x16xf32>,
      %mul3A_159 = arith.constant 16 : i32
      %mul3A_160 = arith.muli %scan3A_103, %mul3A_159 : i32
      %swap3A_161 = arith.constant 7 : i32
      %swap3A_162 = arith.index_cast %swap3A_161 : i32 to index
      %swap3A_163 = arith.index_cast %mul3A_160 : i32 to index
      %swap3A_164 = tpu.vector_load %arg13[%swap3A_162, %swap3A_163] {strides = array<i32>} : memref<8x768xf32, #tpu.memory_space<vmem>>, vector<1x16xf32>,
      %swap3A_165 = vector.shape_cast %swap3A_164 : vector<1x16xf32> to vector<16xf32>
      %swap3A_166 = vector.shape_cast %broadcast_in_dim3A_23 : vector<16xf32> to vector<1x16xf32>
      tpu.vector_store %arg13[%swap3A_162, %swap3A_163], %swap3A_166 {strides = array<i32>} : memref<8x768xf32, #tpu.memory_space<vmem>>, vector<1x16xf32>,
    }
    %scan3A_27 = arith.constant 48 : i32
    %add3A_28 = arith.constant 0 : i32
    %add3A_29 = arith.addi %add3A_28, %add3A : i32
    %lt3A_30 = arith.constant 67 : i32
    %lt3A_31 = arith.cmpi slt, %add3A_29, %lt3A_30 : i32
    %convert_element_type3A_32 = arith.extui %lt3A_31 : i1 to i32
    %cond3A_33 = arith.constant 0 : i32
    %cond3A_34 = arith.cmpi ne, %convert_element_type3A_32, %cond3A_33 : i32
    scf.if %cond3A_34 {
      %mul3A_103 = arith.constant 8 : i32
      %mul3A_104 = arith.muli %add3A_29, %mul3A_103 : i32
      %multiple_of3A = tpu.assume_multiple %mul3A_104, 8 : i32
      %dma_wait3A_105 = tpu.memref_slice %arg4[%multiple_of3A] : memref<768xi32, #tpu.memory_space<hbm>> -> memref<8xi32, #tpu.memory_space<hbm>>
      %dma_wait3A_106 = tpu.memref_slice %arg4[%multiple_of3A] : memref<768xi32, #tpu.memory_space<hbm>> -> memref<8xi32, #tpu.memory_space<hbm>>
      tpu.wait_dma2 semaphore(%arg15 : memref<!tpu.dma_semaphore, #tpu.memory_space<semaphore_mem>>) src(%dma_wait3A_106 : memref<8xi32, #tpu.memory_space<hbm>>) dst(%arg9 : memref<8xi32, #tpu.memory_space<vmem>>)
    } else {
    }
    %add3A_35 = arith.constant 32 : i32
    %add3A_36 = arith.addi %add3A_35, %add3A : i32
    %lt3A_37 = arith.constant 67 : i32
    %lt3A_38 = arith.cmpi slt, %add3A_36, %lt3A_37 : i32
    %convert_element_type3A_39 = arith.extui %lt3A_38 : i1 to i32
    %cond3A_40 = arith.constant 0 : i32
    %cond3A_41 = arith.cmpi ne, %convert_element_type3A_39, %cond3A_40 : i32
    scf.if %cond3A_41 {
      %mul3A_103 = arith.constant 8 : i32
      %mul3A_104 = arith.muli %add3A_36, %mul3A_103 : i32
      %multiple_of3A = tpu.assume_multiple %mul3A_104, 8 : i32
      %dma_wait3A_105 = tpu.memref_slice %arg4[%multiple_of3A] : memref<768xi32, #tpu.memory_space<hbm>> -> memref<8xi32, #tpu.memory_space<hbm>>
      %dma_wait3A_106 = tpu.memref_slice %arg4[%multiple_of3A] : memref<768xi32, #tpu.memory_space<hbm>> -> memref<8xi32, #tpu.memory_space<hbm>>
      tpu.wait_dma2 semaphore(%arg15 : memref<!tpu.dma_semaphore, #tpu.memory_space<semaphore_mem>>) src(%dma_wait3A_106 : memref<8xi32, #tpu.memory_space<hbm>>) dst(%arg10 : memref<8xi32, #tpu.memory_space<vmem>>)
    } else {
    }
    %add3A_42 = arith.constant 64 : i32
    %add3A_43 = arith.addi %add3A_42, %add3A : i32
    %lt3A_44 = arith.constant 67 : i32
    %lt3A_45 = arith.cmpi slt, %add3A_43, %lt3A_44 : i32
    %convert_element_type3A_46 = arith.extui %lt3A_45 : i1 to i32
    %cond3A_47 = arith.constant 0 : i32
    %cond3A_48 = arith.cmpi ne, %convert_element_type3A_46, %cond3A_47 : i32
    scf.if %cond3A_48 {
      %mul3A_103 = arith.constant 8 : i32
      %mul3A_104 = arith.muli %add3A_43, %mul3A_103 : i32
      %multiple_of3A = tpu.assume_multiple %mul3A_104, 8 : i32
      %dma_wait3A_105 = tpu.memref_slice %arg4[%multiple_of3A] : memref<768xi32, #tpu.memory_space<hbm>> -> memref<8xi32, #tpu.memory_space<hbm>>
      %dma_wait3A_106 = tpu.memref_slice %arg4[%multiple_of3A] : memref<768xi32, #tpu.memory_space<hbm>> -> memref<8xi32, #tpu.memory_space<hbm>>
      tpu.wait_dma2 semaphore(%arg15 : memref<!tpu.dma_semaphore, #tpu.memory_space<semaphore_mem>>) src(%dma_wait3A_106 : memref<8xi32, #tpu.memory_space<hbm>>) dst(%arg11 : memref<8xi32, #tpu.memory_space<vmem>>)
    } else {
    }
    %add3A_49 = arith.constant 0 : i32
    %add3A_50 = arith.addi %add3A_49, %add3A : i32
    %lt3A_51 = arith.constant 67 : i32
    %lt3A_52 = arith.cmpi slt, %add3A_50, %lt3A_51 : i32
    %convert_element_type3A_53 = arith.extui %lt3A_52 : i1 to i32
    %cond3A_54 = arith.constant 0 : i32
    %cond3A_55 = arith.cmpi ne, %convert_element_type3A_53, %cond3A_54 : i32
    scf.if %cond3A_55 {
      %dma_start3A_103 = arith.constant 0 : i32
      %dma_start3A_104 = arith.constant 0 : i32
      %dma_start3A_105 = tpu.memref_slice %arg6[%dma_start3A_103, %dma_start3A_104] : memref<1024x768xf32, #tpu.memory_space<hbm>> -> memref<1024x768xf32, #tpu.memory_space<hbm>>
      tpu.enqueue_indirect_dma source(%arg13 : memref<8x768xf32, #tpu.memory_space<vmem>>) target(%dma_start3A_105 : memref<1024x768xf32, #tpu.memory_space<hbm>>) offsets(%arg9 : memref<8xi32, #tpu.memory_space<vmem>>) semaphore(%arg17 : memref<!tpu.dma_semaphore, #tpu.memory_space<semaphore_mem>>)
    } else {
    }
    %add3A_56 = arith.constant 32 : i32
    %add3A_57 = arith.addi %add3A_56, %add3A : i32
    %lt3A_58 = arith.constant 67 : i32
    %lt3A_59 = arith.cmpi slt, %add3A_57, %lt3A_58 : i32
    %convert_element_type3A_60 = arith.extui %lt3A_59 : i1 to i32
    %cond3A_61 = arith.constant 0 : i32
    %cond3A_62 = arith.cmpi ne, %convert_element_type3A_60, %cond3A_61 : i32
    scf.if %cond3A_62 {
      %dma_start3A_103 = arith.constant 0 : i32
      %dma_start3A_104 = arith.constant 0 : i32
      %dma_start3A_105 = tpu.memref_slice %arg6[%dma_start3A_103, %dma_start3A_104] : memref<1024x768xf32, #tpu.memory_space<hbm>> -> memref<1024x768xf32, #tpu.memory_space<hbm>>
      tpu.enqueue_indirect_dma source(%arg13 : memref<8x768xf32, #tpu.memory_space<vmem>>) target(%dma_start3A_105 : memref<1024x768xf32, #tpu.memory_space<hbm>>) offsets(%arg10 : memref<8xi32, #tpu.memory_space<vmem>>) semaphore(%arg17 : memref<!tpu.dma_semaphore, #tpu.memory_space<semaphore_mem>>)
    } else {
    }
    %add3A_63 = arith.constant 64 : i32
    %add3A_64 = arith.addi %add3A_63, %add3A : i32
    %lt3A_65 = arith.constant 67 : i32
    %lt3A_66 = arith.cmpi slt, %add3A_64, %lt3A_65 : i32
    %convert_element_type3A_67 = arith.extui %lt3A_66 : i1 to i32
    %cond3A_68 = arith.constant 0 : i32
    %cond3A_69 = arith.cmpi ne, %convert_element_type3A_67, %cond3A_68 : i32
    scf.if %cond3A_69 {
      %dma_start3A_103 = arith.constant 0 : i32
      %dma_start3A_104 = arith.constant 0 : i32
      %dma_start3A_105 = tpu.memref_slice %arg6[%dma_start3A_103, %dma_start3A_104] : memref<1024x768xf32, #tpu.memory_space<hbm>> -> memref<1024x768xf32, #tpu.memory_space<hbm>>
      tpu.enqueue_indirect_dma source(%arg13 : memref<8x768xf32, #tpu.memory_space<vmem>>) target(%dma_start3A_105 : memref<1024x768xf32, #tpu.memory_space<hbm>>) offsets(%arg11 : memref<8xi32, #tpu.memory_space<vmem>>) semaphore(%arg17 : memref<!tpu.dma_semaphore, #tpu.memory_space<semaphore_mem>>)
    } else {
    }
    %dma_wait3A = arith.constant 0 : i32
    %dma_wait3A_70 = arith.constant 0 : i32
    %dma_wait3A_71 = tpu.memref_slice %arg2[%dma_wait3A, %dma_wait3A_70] : memref<1024x768xf32, #tpu.memory_space<hbm>> -> memref<1024x768xf32, #tpu.memory_space<hbm>>
    tpu.wait_indirect_dma semaphore(%arg16 : memref<!tpu.dma_semaphore, #tpu.memory_space<semaphore_mem>>) src(%dma_wait3A_71 : memref<1024x768xf32, #tpu.memory_space<hbm>>) dst(%arg12 : memref<16x768xf32, #tpu.memory_space<vmem>>)
    %dma_start3A_72 = arith.constant 0 : i32
    %dma_start3A_73 = arith.constant 0 : i32
    %dma_start3A_74 = tpu.memref_slice %arg6[%dma_start3A_72, %dma_start3A_73] : memref<1024x768xf32, #tpu.memory_space<hbm>> -> memref<1024x768xf32, #tpu.memory_space<hbm>>
    tpu.enqueue_indirect_dma source(%arg12 : memref<16x768xf32, #tpu.memory_space<vmem>>) target(%dma_start3A_74 : memref<1024x768xf32, #tpu.memory_space<hbm>>) offsets(%arg8 : memref<16xi32, #tpu.memory_space<vmem>>) semaphore(%arg16 : memref<!tpu.dma_semaphore, #tpu.memory_space<semaphore_mem>>)
    %eq3A = arith.constant 0 : i32
    %eq3A_75 = arith.cmpi eq, %add3A, %eq3A : i32
    %convert_element_type3A_76 = arith.extui %eq3A_75 : i1 to i32
    %cond3A_77 = arith.constant 0 : i32
    %cond3A_78 = arith.cmpi ne, %convert_element_type3A_76, %cond3A_77 : i32
    scf.if %cond3A_78 {
      "tpu.region"() ({
        %run_scoped3A = tpu.sem_alloc : memref<!tpu.dma_semaphore, #tpu.memory_space<semaphore_mem>>
        tpu.enqueue_dma source(%arg5 : memref<1024xi32, #tpu.memory_space<hbm>>) target(%arg14 : memref<1024xi32, #tpu.memory_space<vmem>>) target_semaphore(%run_scoped3A : memref<!tpu.dma_semaphore, #tpu.memory_space<semaphore_mem>>)
        tpu.wait_dma2 semaphore(%run_scoped3A : memref<!tpu.dma_semaphore, #tpu.memory_space<semaphore_mem>>) src(%arg5 : memref<1024xi32, #tpu.memory_space<hbm>>) dst(%arg14 : memref<1024xi32, #tpu.memory_space<vmem>>)
        tpu.yield
      }) : () -> ()
      "tpu.region"() ({
        %run_scoped3A = tpu.sem_alloc : memref<!tpu.dma_semaphore, #tpu.memory_space<semaphore_mem>>
        tpu.enqueue_dma source(%arg14 : memref<1024xi32, #tpu.memory_space<vmem>>) target(%arg7 : memref<1024xi32, #tpu.memory_space<hbm>>) target_semaphore(%run_scoped3A : memref<!tpu.dma_semaphore, #tpu.memory_space<semaphore_mem>>)
        tpu.wait_dma2 semaphore(%run_scoped3A : memref<!tpu.dma_semaphore, #tpu.memory_space<semaphore_mem>>) src(%arg14 : memref<1024xi32, #tpu.memory_space<vmem>>) dst(%arg7 : memref<1024xi32, #tpu.memory_space<hbm>>)
        tpu.yield
      }) : () -> ()
    } else {
    }
    %add3A_79 = arith.constant 0 : i32
    %add3A_80 = arith.addi %add3A_79, %add3A : i32
    %lt3A_81 = arith.constant 67 : i32
    %lt3A_82 = arith.cmpi slt, %add3A_80, %lt3A_81 : i32
    %convert_element_type3A_83 = arith.extui %lt3A_82 : i1 to i32
    %cond3A_84 = arith.constant 0 : i32
    %cond3A_85 = arith.cmpi ne, %convert_element_type3A_83, %cond3A_84 : i32
    scf.if %cond3A_85 {
      %dma_wait3A_103 = arith.constant 0 : i32
      %dma_wait3A_104 = arith.constant 0 : i32
      %dma_wait3A_105 = tpu.memref_slice %arg6[%dma_wait3A_103, %dma_wait3A_104] : memref<1024x768xf32, #tpu.memory_space<hbm>> -> memref<1024x768xf32, #tpu.memory_space<hbm>>
      tpu.wait_indirect_dma semaphore(%arg17 : memref<!tpu.dma_semaphore, #tpu.memory_space<semaphore_mem>>) src(%arg13 : memref<8x768xf32, #tpu.memory_space<vmem>>) dst(%dma_wait3A_105 : memref<1024x768xf32, #tpu.memory_space<hbm>>)
    } else {
    }
    %add3A_86 = arith.constant 32 : i32
    %add3A_87 = arith.addi %add3A_86, %add3A : i32
    %lt3A_88 = arith.constant 67 : i32
    %lt3A_89 = arith.cmpi slt, %add3A_87, %lt3A_88 : i32
    %convert_element_type3A_90 = arith.extui %lt3A_89 : i1 to i32
    %cond3A_91 = arith.constant 0 : i32
    %cond3A_92 = arith.cmpi ne, %convert_element_type3A_90, %cond3A_91 : i32
    scf.if %cond3A_92 {
      %dma_wait3A_103 = arith.constant 0 : i32
      %dma_wait3A_104 = arith.constant 0 : i32
      %dma_wait3A_105 = tpu.memref_slice %arg6[%dma_wait3A_103, %dma_wait3A_104] : memref<1024x768xf32, #tpu.memory_space<hbm>> -> memref<1024x768xf32, #tpu.memory_space<hbm>>
      tpu.wait_indirect_dma semaphore(%arg17 : memref<!tpu.dma_semaphore, #tpu.memory_space<semaphore_mem>>) src(%arg13 : memref<8x768xf32, #tpu.memory_space<vmem>>) dst(%dma_wait3A_105 : memref<1024x768xf32, #tpu.memory_space<hbm>>)
    } else {
    }
    %add3A_93 = arith.constant 64 : i32
    %add3A_94 = arith.addi %add3A_93, %add3A : i32
    %lt3A_95 = arith.constant 67 : i32
    %lt3A_96 = arith.cmpi slt, %add3A_94, %lt3A_95 : i32
    %convert_element_type3A_97 = arith.extui %lt3A_96 : i1 to i32
    %cond3A_98 = arith.constant 0 : i32
    %cond3A_99 = arith.cmpi ne, %convert_element_type3A_97, %cond3A_98 : i32
    scf.if %cond3A_99 {
      %dma_wait3A_103 = arith.constant 0 : i32
      %dma_wait3A_104 = arith.constant 0 : i32
      %dma_wait3A_105 = tpu.memref_slice %arg6[%dma_wait3A_103, %dma_wait3A_104] : memref<1024x768xf32, #tpu.memory_space<hbm>> -> memref<1024x768xf32, #tpu.memory_space<hbm>>
      tpu.wait_indirect_dma semaphore(%arg17 : memref<!tpu.dma_semaphore, #tpu.memory_space<semaphore_mem>>) src(%arg13 : memref<8x768xf32, #tpu.memory_space<vmem>>) dst(%dma_wait3A_105 : memref<1024x768xf32, #tpu.memory_space<hbm>>)
    } else {
    }
    %dma_wait3A_100 = arith.constant 0 : i32
    %dma_wait3A_101 = arith.constant 0 : i32
    %dma_wait3A_102 = tpu.memref_slice %arg6[%dma_wait3A_100, %dma_wait3A_101] : memref<1024x768xf32, #tpu.memory_space<hbm>> -> memref<1024x768xf32, #tpu.memory_space<hbm>>
    tpu.wait_indirect_dma semaphore(%arg16 : memref<!tpu.dma_semaphore, #tpu.memory_space<semaphore_mem>>) src(%arg12 : memref<16x768xf32, #tpu.memory_space<vmem>>) dst(%dma_wait3A_102 : memref<1024x768xf32, #tpu.memory_space<hbm>>)
    return
  }
}

</mosaic_0001>

<sc_bundles>
// kernel: kernel.3.cloned.1.call-start
scs
__scs_entry_jumppad:
0x0: {  	(pc) =	sbr.rel $0x88, $3  }
0x1: {  	(tag) =	ssettag $0x0;
	lr =	simm.s32 $0x1  }
0x2: {  	[smem:$0x3FA0] =	sst lr;
	_ =	strace $0xD0000000  }
0x3: {  	_ = 	snop  }
0x4: {  	_ = 	snop  }
0x5: {  	_ = 	snop  }
0x6: {  	_ = 	snop  }
0x7: {  	_ = 	snop  }
__scs_overlays_trampoline_lowered:
0x8: {  	[smem:$0x3FAF] =	sst s0  }
0x9: {  	[smem:$0x3FB0] =	sst s1  }
0xa: {  	[smem:$0x3FB1] =	sst s2  }
0xb: {  	[smem:$0x3FB2] =	sst s3  }
0xc: {  	[smem:$0x3FB3] =	sst s4  }
0xd: {  	[smem:$0x3FB4] =	sst s5  }
0xe: {  	[smem:$0x3FB5] =	sst s6  }
0xf: {  	[smem:$0x3FB6] =	sst s7  }
0x10: {  	[smem:$0x3FB7] =	sst s8  }
0x11: {  	[smem:$0x3FB8] =	sst s9;
	s0 =	simm.s32 @!p0 $0x0  }
0x12: {  	s1 =	sld [smem:$0x3F9E];
	s0 =	simm.s32 @p0 $0x1  }
0x13: {  	[smem:$0x3FB9] =	sst s0;
	s0 =	simm.s32 @!p1 $0x0  }
0x14: {  	s2 =	sld [smem:$0x3F9D];
	s0 =	simm.s32 @p1 $0x1  }
0x15: {  	[smem:$0x3FBA] =	sst s0;
	s0 =	simm.s32 @!p2 $0x0  }
0x16: {  	s3 =	sld [smem:$0x3FDB];
	s0 =	simm.s32 @p2 $0x1  }
0x17: {  	s4 =	simm.s32 $0x1BF5;
	[smem:$0x3FBC] =	sst s0  }
0x18: {  	s0 =	sld [smem:$0x3F9F];
	_ =	swait.ge [sflag:s4], $0x0  }
0x19: {  	s7 =	sld [smem:$0x3FA0]  }
0x1a: {  	s8 =	sadd.s32 $0xFFFFE003, lr  }
0x1b: {  	s9 =	sadd.s32 $0xFFFFFEF7, lr;
	s5 =	simm.s32 $0xFFFFFFFF;
	p2 =	slt.u32 s8, $0xFFFFF086  }
0x1c: {  	p1 =	slt.u32 s9, $0xF7A;
	s5 =	simm.s32 @!p2 $0x0  }
0x1d: {  	s5 =	simm.s32 @p1 $0x1;
	p0 =	seq.s32 s7, s2  }
0x1e: {  	s7 =	smul.u32 @!p0 $0xF7A, s2;
	p2 =	seq.s32 @!p0 s5, $0x0  }
0x1f: {  	s9 =	smul.u32 $0xF7A, s1;
	s8 =	simm.s32 @!p0 $0x1BF5;
	p2 =	por !p2, p0  }
0x20: {  	[sflag:s8] =	ssyncset.s32 @!p0 $0xFFFFF086;
	s6 =	sadd.s32 @!p0 s3, s7;
	s7 =	simm.s32 @!p0 $0x108  }
0x21: {  	s3 =	sadd.s32 s3, s9;
	s6 =	sadd.s32 @!p0 $0x88, s6;
	s7 =	simm.s32 @p2 $0x1082  }
0x22: {  	[simem:s7], [sflag:s8] =	dma.local @!p0 [hbm:s6], $0xF7A  }
0x23: {  	s9 =	sor.u32 $0xD0000000, s2;
	s6 =	simm.s32 $0x108;
	_ =	swait.ge @!p0 [sflag:s8], $0x0  }
0x24: {  	s3 =	sadd.s32 $0x88, s3;
	s6 =	simm.s32 @!p1 $0x1082;
	[sflag:s4] =	ssyncset.s32 $0xFFFFF086  }
0x25: {  	[simem:s6], [sflag:s4] =	dma.local [hbm:s3], $0xF7A  }
0x26: {  	[smem:$0x3FA0] =	sst s1;
	(tag) =	ssettag s2;
	_ =	strace s9  }
0x27: {  	s1 =	sld [smem:$0x3FB0]  }
0x28: {  	s2 =	sld [smem:$0x3FB1]  }
0x29: {  	s4 =	sld [smem:$0x3FB3]  }
0x2a: {  	p0 =	seq.s32 s5, $0x0;
	s5 =	sld [smem:$0x3FB4]  }
0x2b: {  	s6 =	sld [smem:$0x3FB5]  }
0x2c: {  	s7 =	sld [smem:$0x3FB6]  }
0x2d: {  	s3 =	simm.s32 $0x108;
	s8 =	sld [smem:$0x3FB7]  }
0x2e: {  	s3 =	simm.s32 @!p0 $0x1082;
	s9 =	sld [smem:$0x3FB8]  }
0x2f: {  	lr =	sadd.s32 s0, s3;
	s0 =	sld [smem:$0x3FAF]  }
0x30: {  	s3 =	sld [smem:$0x3FB2]  }
0x31: {  	[smem:$0x3FBB] =	sst s10  }
0x32: {  	s10 =	sld [smem:$0x3FB9];
	_ =	sdelay $0x3  }
0x33: {  	p0 =	seq.s32 s10, $0x1;
	s10 =	sld [smem:$0x3FBB];
	_ =	sdelay $0x3  }
0x34: {  	[smem:$0x3FBB] =	sst s10  }
0x35: {  	s10 =	sld [smem:$0x3FBA];
	_ =	sdelay $0x3  }
0x36: {  	p1 =	seq.s32 s10, $0x1;
	s10 =	sld [smem:$0x3FBB];
	_ =	sdelay $0x3  }
0x37: {  	[smem:$0x3FBB] =	sst s10  }
0x38: {  	s10 =	sld [smem:$0x3FBC]  }
0x39: {  	_ = 	snop;
	(pc) =	sbr.ind lr, $3  }
0x3a: {  	_ = 	snop  }
0x3b: {  	_ = 	snop  }
0x3c: {  	p2 =	seq.s32 s10, $0x1;
	s10 =	sld [smem:$0x3FBB]  }
0x3d: {  	_ =	shalt  }
0x3e: {  	_ =	shalt  }
0x3f: {  	_ =	shalt  }
0x40: {  	_ =	shalt  }
0x41: {  	_ =	shalt  }
0x42: {  	_ =	shalt  }
0x43: {  	_ =	shalt  }
0x44: {  	_ =	shalt  }
0x45: {  	_ =	shalt  }
0x46: {  	_ =	shalt  }
0x47: {  	_ =	shalt  }
0x48: {  	_ =	shalt  }
0x49: {  	_ =	shalt  }
0x4a: {  	_ =	shalt  }
0x4b: {  	_ =	shalt  }
0x4c: {  	_ =	shalt  }
0x4d: {  	_ =	shalt  }
0x4e: {  	_ =	shalt  }
0x4f: {  	_ =	shalt  }
0x50: {  	_ =	shalt  }
0x51: {  	_ =	shalt  }
0x52: {  	_ =	shalt  }
0x53: {  	_ =	shalt  }
0x54: {  	_ =	shalt  }
0x55: {  	_ =	shalt  }
0x56: {  	_ =	shalt  }
0x57: {  	_ =	shalt  }
0x58: {  	_ =	shalt  }
0x59: {  	_ =	shalt  }
0x5a: {  	_ =	shalt  }
0x5b: {  	_ =	shalt  }
0x5c: {  	_ =	shalt  }
0x5d: {  	_ =	shalt  }
0x5e: {  	_ =	shalt  }
0x5f: {  	_ =	shalt  }
0x60: {  	_ =	shalt  }
0x61: {  	_ =	shalt  }
0x62: {  	_ =	shalt  }
0x63: {  	_ =	shalt  }
0x64: {  	_ =	shalt  }
0x65: {  	_ =	shalt  }
0x66: {  	_ =	shalt  }
0x67: {  	_ =	shalt  }
0x68: {  	_ =	shalt  }
0x69: {  	_ =	shalt  }
0x6a: {  	_ =	shalt  }
0x6b: {  	_ =	shalt  }
0x6c: {  	_ =	shalt  }
0x6d: {  	_ =	shalt  }
0x6e: {  	_ =	shalt  }
0x6f: {  	_ =	shalt  }
0x70: {  	_ =	shalt  }
0x71: {  	_ =	shalt  }
0x72: {  	_ =	shalt  }
0x73: {  	_ =	shalt  }
0x74: {  	_ =	shalt  }
0x75: {  	_ =	shalt  }
0x76: {  	_ =	shalt  }
0x77: {  	_ =	shalt  }
0x78: {  	_ =	shalt  }
0x79: {  	_ =	shalt  }
0x7a: {  	_ =	shalt  }
0x7b: {  	_ =	shalt  }
0x7c: {  	_ =	shalt  }
0x7d: {  	_ =	shalt  }
0x7e: {  	_ =	shalt  }
0x7f: {  	_ =	shalt  }
0x80: {  	_ =	shalt  }
0x81: {  	_ =	shalt  }
0x82: {  	_ =	shalt  }
0x83: {  	_ =	shalt  }
0x84: {  	_ =	shalt  }
0x85: {  	_ =	shalt  }
0x86: {  	_ =	shalt  }
0x87: {  	_ =	shalt  }
.Lfunc_end0:
.L_simem_size_0:
called_computation_lowered:
.L_overlay_start_0:
0x88: {  	s2 =	sld [smem:$0x3FD9]  }
0x89: {  	s3 =	sld [smem:$0x3FFE];
	_ =	sdelay $0x1  }
0x8a: {  	s1 =	srdreg.scid  }
0x8b: {  	s0 =	sand.u32 $0x1, s1  }
0x8c: {  	s14 =	sshll.u32 s0, $0xA;
	s2 =	sadd.s32 s3, s2  }
0x8d: {  	s2 =	sadd.s32 s2, s14  }
0x8e: {  	[smem:$0x3FC7] =	sst s2  }
0x8f: {  	_ = 	snop  }
0x90: {  	s2 =	sld [smem:$0x3FD0];
	_ =	sdelay $0x2  }
0x91: {  	s4 =	simm.s32 $0xA;
	s5 =	simm.s32 $0x10;
	s15 =	sld [smem:$0x3FC9]  }
0x92: {  	[smem:s5], [sflag:s4] =	dma.local [hbm:s2], $0x1  }
0x93: {  	_ =	swait.eq [sflag:s4], $0x1  }
0x94: {  	[sflag:s4] =	ssyncset.done $0x0  }
0x95: {  	[sflag:s4] =	ssyncadd.s32 $0xFFFFFFFF  }
0x96: {  	s16 =	sld [smem:$0x10];
	(tm) =	ssettm $0x1  }
0x97: {  	s17 =	sld [smem:$0x3FFB];
	_ =	sdelay $0x3  }
0x98: {  	_ =	strace s17  }
0x99: {  	s4 =	sld [smem:$0x3FFC];
	_ =	sdelay $0x3  }
0x9a: {  	_ =	strace s4  }
0x9b: {  	s4 =	sld [smem:$0x3FFD];
	_ =	sdelay $0x3  }
0x9c: {  	_ =	strace s4  }
0x9d: {  	_ =	strace $0x8FFFFFFF  }
0x9e: {  	s18 =	sld [smem:$0x3FDB];
	_ =	sdelay $0x1  }
0x9f: {  	s19 =	simm.s32 $_scs_section_size  }
0xa0: {  	s6 =	simm.s32 $_size__tile_overlayer_lowered;
	s7 =	simm.s32 $_tile_overlayer_lowered  }
0xa1: {  	s22 =	simm.s32 $0x1BFF;
	s21 =	sshll.u32 s7, $0x1;
	s4 =	sadd.s32 s19, s18  }
0xa2: {  	s8 =	simm.s32 $0x0;
	s20 =	sshll.u32 s6, $0x1;
	s6 =	sadd.s32 s21, s4  }
0xa3: {  	[timem:s8], [sflag:s22] =	dma.local [hbm:s6], s20  }
0xa4: {  	_ =	swait.ge [sflag:s22], s20  }
0xa5: {  	s5 =	ssub.s32 $0x0, s20;
	[sflag:s22] =	ssyncset.done $0x0  }
0xa6: {  	[sflag:s22] =	ssyncadd.s32 s5;
	_ =	sdelay $0x1  }
0xa7: {  	s23 =	simm.s32 $0x1B8B  }
0xa8: {  	_ =	swait.ge [sflag:s23], $0x1  }
0xa9: {  	[sflag:s23] =	ssyncset.done $0x0  }
0xaa: {  	s25 =	simm.s32 $0x1B8E;
	s24 =	sld [smem:$0x3FFE];
	[sflag:s23] =	ssyncadd.s32 $0xFFFFFFFF  }
0xab: {  	s26 =	simm.s32 $execute0_lowered;
	[smem:$0x3FD2] =	sst s25  }
0xac: {  	s6 =	sshll.u32 s26, $0x1;
	_ =	strace $0x80000046;
	[dreg:$0x1] =	wrdreg $0xFFFFFFFF  }
0xad: {  	s28 =	simm.s32 $_size_execute0_lowered;
	s4 =	sadd.s32 s4, s6;
	[dreg:$0x0] =	wrdreg $0x0  }
0xae: {  	s6 =	sshll.u32 s28, $0x1;
	[dreg:$0x2] =	wrdreg s4  }
0xaf: {  	[dreg:$0x3] =	wrdreg s6  }
0xb0: {  	[dreg:$0x4] =	wrdreg $0xC0  }
0xb1: {  	_ =	task [dreg:s8], $0x5FFFF  }
0xb2: {  	[dreg:$0x1] =	wrdreg $0xFFFFFFFF  }
0xb3: {  	[dreg:$0x0] =	wrdreg $0x60  }
0xb4: {  	[dreg:$0x2] =	wrdreg s15  }
0xb5: {  	[dreg:$0x3] =	wrdreg s24  }
0xb6: {  	[dreg:$0x4] =	wrdreg s16  }
0xb7: {  	[dreg:$0x5] =	wrdreg $0x9  }
0xb8: {  	_ =	task.clear_ibuf [dreg:s8], $0x6FFFF;
	_ =	strace $0x90000046  }
0xb9: {  	s29 =	simm.s32 $0x9;
	_ =	strace $0x80000048  }
0xba: {  	_ =	swait.ge [sflag:s29], $0x1  }
0xbb: {  	[sflag:s29] =	ssyncadd.s32 $0xFFFFFFFF  }
0xbc: {  	_ =	strace $0x90000048  }
0xbd: {  	_ =	sfence  }
0xbe: {  	s30 =	sld [smem:$0x0];
	_ =	sdelay $0x2  }
0xbf: {  	s31 =	sshll.u32 s1, $0xD;
	s1 =	sshrl.u32 s1, $0x2  }
0xc0: {  	s3 =	sand.u32 $0x4000, s31;
	s1 =	sadd.s32 s1, s30  }
0xc1: {  	s0 =	sor.u32 s3, s0;
	s1 =	sshll.u32 s1, $0x11  }
0xc2: {  	s0 =	sor.u32 s1, s0  }
0xc3: {  	s0 =	sadd.s32 $0x8F2B, s0  }
0xc4: {  	[sflag:s0] =	ssyncadd.remote.s32 $0x1  }
0xc5: {  	_ =	sfence.sel $0xFFFF  }
0xc6: {  	[dreg:$0x0] =	wrdreg $0xFFFFFFFF;
	(pc) =	sbr.abs _section_cstart, $3  }
0xc7: {  	[dreg:$0x1] =	wrdreg $0xFFFFFFFF  }
0xc8: {  	_ =	task.clear_ibuf [dreg:s8], $0x2FFFF;
	_ =	strace $0x9FFFFFFF  }
0xc9: {  	(tm) =	ssettm $0x7FFFFFFF  }
tec
execute0_lowered:
.L_overlay_start_1:
0x0: {  	(tag) =	ssettag $0x1  }
0x1: {  	s6 =	rddreg [dreg:$0x0]  }
0x2: {  	s0 =	rddreg [dreg:$0x1]  }
0x3: {  	s3 =	rddreg [dreg:$0x2]  }
0x4: {  	s1 =	srdreg.scid;
	s2 =	stileid.u32;
	s4 =	simm.s32 $0x0  }
0x5: {  	s16 =	simm.s32 $0x4;
	s17 =	simm.s32 $0x200;
	s18 =	simm.s32 $0xA00  }
0x6: {  	s19 =	simm.s32 $0x1200;
	s20 =	simm.s32 $0x1A00;
	s21 =	simm.s32 $0x2200  }
0x7: {  	s22 =	simm.s32 $0x2A00;
	s28 =	simm.s32 $0x3A00;
	s29 =	simm.s32 $0x4200  }
0x8: {  	s30 =	simm.s32 $0x2;
	s31 =	simm.s32 $0x3;
	s1 =	sand.u32 $0x1, s1  }
0x9: {  	s2 =	sshll.u32 s2, $0x1;
	[smem:$0x7FF] =	sst s4;
	s23 =	sadd.s32 $0x800, s0  }
0xa: {  	s9 =	sadd.s32 $0x200, s6;
	s13 =	sadd.s32 $0x100, s3;
	s14 =	sadd.s32 $0x200, s3  }
0xb: {  	s2 =	sor.u32 s1, s2;
	_ =	strace $0x80000047;
	s1 =	ssub.s32 $0x2, s1  }
0xc: {  	[dreg:$0x4] =	wrdreg s23;
	s5 =	sshll.u32 s2, $0x1;
	s12 =	sadd.s32 s2, s0  }
0xd: {  	s8 =	sshrl.u32 s1, $0x1;
	p0 =	sgt.u32 s2, $0x2;
	p1 =	sne.s32 s2, $0x0  }
0xe: {  	s7 =	sadd.s32 s5, s0;
	s0 =	sadd.s32 $0xE00, s0;
	s24 =	ssub.s32 s1, s8  }
0xf: {  	s8 =	sadd.s32 $0x100, s6;
	s26 =	sadd.s32 $0xA00, s12;
	s11 =	sadd.s32 $0xA20, s12  }
0x10: {  	v2 =	vlaneseq.u32;
	vm0 =	vmmov $0xffff;
	s12 =	sadd.s32 $0xA40, s12;
	[dreg:$0x5] =	wrdreg s0;
	s25 =	sadd.s32 $0xC00, s7  }
0x11: {  	v3 =	vimm.f32 $-1.000000000e+02;
	v1 =	vshrl.u32 v2, $0x3;
	v0 =	vand.u32 $0x7, v2;
	[dreg:$0x7] =	wrdreg s26;
	s15 =	smax.u32 s24, $0x1;
	s26 =	simm.s32 $0x3200  }
0x12: {  	v2 =	vor.u32 $0x8, v2;
	v1 =	vmul.u32 $0x8, v1;
	vm1 =	vmmov @!p0 $0xffff;
	s0 =	simm.s32 $0x0;
	[dreg:$0x6] =	wrdreg s25;
	s25 =	simm.s32 $0x1  }
.LBB2_1:
0x13: {  	s1 =	rddreg [dreg:$0x6]  }
0x14: {  	[tilespmem:s4], [sflag:$0x4] =	stream.linear.gather [hbm4b:s1+s4], $0x10, $0x38;
	[tilespmem:$0x4E00] =	vst v63  }
0x15: {  	_ =	swait.ge [sflag:s16], $0x10  }
0x16: {  	[sflag:s16] =	ssyncset.done $0x0  }
0x17: {  	[sflag:s16] =	ssyncadd.s32 $0xFFFFFFF0  }
0x18: {  	v4 =	vld [tilespmem:$0x0];
	_ =	sdelay $0x4  }
0x19: {  	v5 =	vshrl.u32 v4, $0x3  }
0x1a: {  	v5 =	vmul.u32 $0x30, v5  }
0x1b: {  	v4 =	vand.u32 $0x7, v4  }
0x1c: {  	v4 =	vor.u32 v4, v5  }
0x1d: {  	v5 =	vperm.xlane v4, v0;
	_ =	sdelay $0x1  }
0x1e: {  	v5 =	vadd.s32 v1, v5;
	_ =	sdelay $0x3  }
0x1f: {  	s6 =	rddreg [dreg:$0x0];
	v4 =	vperm.xlane v4, v2  }
0x20: {  	[tilespmem:s17], [sflag:$0x2] =	stream.indirect_vreg.gather [hbm4b:s6+s4], $0x80, v5, vm0, $0xb8;
	[tilespmem:$0x4E00] =	vst v63  }
0x21: {  	v4 =	vadd.s32 v1, v4  }
0x22: {  	[tilespmem:s18], [sflag:$0x2] =	stream.indirect_vreg.gather [hbm4b:s8+s4], $0x80, v5, vm0, $0xb8;
	[tilespmem:$0x4E00] =	vst v63  }
0x23: {  	_ = 	snop  }
0x24: {  	[tilespmem:s19], [sflag:$0x2] =	stream.indirect_vreg.gather [hbm4b:s9+s4], $0x80, v5, vm0, $0xb8;
	[tilespmem:$0x4E00] =	vst v63  }
0x25: {  	_ = 	snop  }
0x26: {  	[tilespmem:s20], [sflag:$0x2] =	stream.indirect_vreg.gather [hbm4b:s6+s4], $0x80, v4, vm0, $0xb8;
	[tilespmem:$0x4E00] =	vst v63  }
0x27: {  	_ = 	snop  }
0x28: {  	[tilespmem:s21], [sflag:$0x2] =	stream.indirect_vreg.gather [hbm4b:s8+s4], $0x80, v4, vm0, $0xb8;
	[tilespmem:$0x4E00] =	vst v63  }
0x29: {  	_ = 	snop  }
0x2a: {  	[tilespmem:s22], [sflag:$0x2] =	stream.indirect_vreg.gather [hbm4b:s9+s4], $0x80, v4, vm0, $0xb8;
	[tilespmem:$0x4E00] =	vst v63  }
0x2b: {  	s2 =	simm.s32 $0x80;
	s7 =	rddreg [dreg:$0x7]  }
0x2c: {  	[tilespmem:s2], [sflag:$0x1] =	stream.linear.gather [hbm4b:s7+s4], $0x8, $0x38;
	[tilespmem:$0x4E00] =	vst v63  }
0x2d: {  	s10 =	simm.s32 $0x100;
	s23 =	sand.u32 $0x70, s4  }
0x2e: {  	[tilespmem:s10], [sflag:$0x1] =	stream.linear.gather [hbm4b:s11+s4], $0x8, $0x38;
	[tilespmem:$0x4E00] =	vst v63  }
0x2f: {  	s24 =	sand.u32 $0x1C00, s4;
	s1 =	simm.s32 @!p0 $0x0;
	s2 =	simm.s32 @!p0 $0x180  }
0x30: {  	[tilespmem:s2], [sflag:$0x1] =	stream.linear.gather @!p0 [hbm4b:s12+s1], $0x8, $0x38;
	[tilespmem:$0x4E00] =	vst v63  }
0x31: {  	s2 =	sor.u32 s23, s24  }
0x32: {  	[tilespmem:s2+$0x3500] =	vst v3  }
0x33: {  	[tilespmem:s2+$0x3480] =	vst v3  }
0x34: {  	[tilespmem:s2+$0x3380] =	vst v3  }
0x35: {  	[tilespmem:s2+$0x3300] =	vst v3  }
0x36: {  	s23 =	sor.u32 s4, s4;
	[tilespmem:s2+$0x3280] =	vst v3  }
0x37: {  	s1 =	simm.s32 $0x10;
	[tilespmem:s2+$0x3200] =	vst v3;
	s24 =	sor.u32 $0x380, s23;
	s23 =	simm.s32 $0x80  }
.LBB2_2:
0x38: {  	s5 =	sand.u32 $0x70, s1  }
0x39: {  	s6 =	sand.u32 $0x1C00, s23;
	[tilespmem:s2+$0x3400] =	vst v3;
	s7 =	smov.u32 s1;
	s10 =	sadd.s32 $0x10, s1  }
0x3a: {  	p2 =	sne.s32 s1, $0x2F0;
	s2 =	sor.u32 s5, s6;
	[tilespmem:s24+$0x3200] =	vst v3  }
0x3b: {  	[tilespmem:s2+$0x3500] =	vst v3  }
.Ltmp0:
0x3c: {  	[tilespmem:s2+$0x3480] =	vst v3;
	(pc) =	sbr.rel @p2 .LBB2_2-.Ltmp0, $4  }
0x3d: {  	[tilespmem:s2+$0x3380] =	vst v3  }
0x3e: {  	[tilespmem:s2+$0x3300] =	vst v3  }
0x3f: {  	s1 =	sor.u32 s23, s7;
	[tilespmem:s2+$0x3280] =	vst v3  }
0x40: {  	s23 =	sadd.s32 $0x80, s23;
	s24 =	sor.u32 $0x380, s1;
	s1 =	smov.u32 s10;
	[tilespmem:s2+$0x3200] =	vst v3  }
0x41: {  	[tilespmem:s2+$0x3400] =	vst v3  }
0x42: {  	[tilespmem:s24+$0x3200] =	vst v3  }
0x43: {  	_ =	swait.ge [sflag:s25], $0x8  }
0x44: {  	[sflag:s25] =	ssyncset.done $0x0  }
0x45: {  	[sflag:s25] =	ssyncadd.s32 $0xFFFFFFF8  }
0x46: {  	_ =	swait.ge [sflag:s25], $0x8  }
0x47: {  	[sflag:s25] =	ssyncset.done $0x0  }
0x48: {  	s1 =	simm.s32 @!p0 $0x1;
	[sflag:s25] =	ssyncadd.s32 $0xFFFFFFF8  }
0x49: {  	_ =	swait.ge @!p0 [sflag:s1], $0x8  }
0x4a: {  	[sflag:s1] =	ssyncset.done @!p0 $0x0  }
0x4b: {  	[sflag:s1] =	ssyncadd.s32 @!p0 $0xFFFFFFF8  }
0x4c: {  	v4 =	vld.msk [tilespmem:$0x80], $0xff;
	_ =	sdelay $0x4  }
0x4d: {  	v5 =	vshrl.u32 v4, $0x3  }
0x4e: {  	v5 =	vmul.u32 $0x30, v5  }
0x4f: {  	v4 =	vand.u32 $0x7, v4  }
0x50: {  	v4 =	vor.u32 v4, v5  }
0x51: {  	v4 =	vperm.xlane v4, v0;
	_ =	sdelay $0x1  }
0x52: {  	v4 =	vadd.s32 v1, v4;
	_ =	sdelay $0x4  }
0x53: {  	[hbm4b:s3+s4] =	stream.indirect_vreg.scatter [tilespmem:s26], [sflag:$0x3], $0x80, v4, vm0, $0xb8;
	[tilespmem:$0x4E00] =	vst v63  }
0x54: {  	_ = 	snop  }
0x55: {  	[hbm4b:s13+s4] =	stream.indirect_vreg.scatter [tilespmem:s28], [sflag:$0x3], $0x80, v4, vm0, $0xb8;
	[tilespmem:$0x4E00] =	vst v63  }
0x56: {  	_ = 	snop  }
0x57: {  	[hbm4b:s14+s4] =	stream.indirect_vreg.scatter [tilespmem:s29], [sflag:$0x3], $0x80, v4, vm0, $0xb8;
	[tilespmem:$0x4E00] =	vst v63  }
0x58: {  	v4 =	vld.msk [tilespmem:$0x100], $0xff;
	_ =	sdelay $0x4  }
0x59: {  	v5 =	vshrl.u32 v4, $0x3  }
0x5a: {  	v5 =	vmul.u32 $0x30, v5  }
0x5b: {  	v4 =	vand.u32 $0x7, v4  }
0x5c: {  	v4 =	vor.u32 v4, v5  }
0x5d: {  	v4 =	vperm.xlane v4, v0;
	_ =	sdelay $0x1  }
0x5e: {  	v4 =	vadd.s32 v1, v4;
	_ =	sdelay $0x4  }
0x5f: {  	[hbm4b:s3+s4] =	stream.indirect_vreg.scatter [tilespmem:s26], [sflag:$0x3], $0x80, v4, vm0, $0xb8;
	[tilespmem:$0x4E00] =	vst v63  }
0x60: {  	_ = 	snop  }
0x61: {  	[hbm4b:s13+s4] =	stream.indirect_vreg.scatter [tilespmem:s28], [sflag:$0x3], $0x80, v4, vm0, $0xb8;
	[tilespmem:$0x4E00] =	vst v63  }
0x62: {  	_ = 	snop  }
0x63: {  	[hbm4b:s14+s4] =	stream.indirect_vreg.scatter [tilespmem:s29], [sflag:$0x3], $0x80, v4, vm0, $0xb8;
	[tilespmem:$0x4E00] =	vst v63  }
0x64: {  	v4 =	vld.msk @!p0 [tilespmem:$0x180], $0xff;
	_ =	sdelay $0x4  }
0x65: {  	v5 =	vshrl.u32 @!p0 v4, $0x3  }
0x66: {  	v5 =	vmul.u32 @!p0 $0x30, v5  }
0x67: {  	v6 =	vlaneseq.u32 @!p0;
	v4 =	vand.u32 @!p0 $0x7, v4  }
0x68: {  	v4 =	vor.u32 @!p0 v4, v5;
	v5 =	vand.u32 @!p0 $0x7, v6;
	v6 =	vshrl.u32 @!p0 v6, $0x3  }
0x69: {  	v4 =	vperm.xlane @!p0 v4, v5;
	v5 =	vmul.u32 @!p0 $0x8, v6;
	_ =	sdelay $0x1  }
0x6a: {  	v4 =	vadd.s32 @!p0 v5, v4;
	_ =	sdelay $0x3  }
0x6b: {  	s2 =	simm.s32 @!p0 $0x3200;
	s1 =	simm.s32 @!p0 $0x0  }
0x6c: {  	[hbm4b:s3+s1] =	stream.indirect_vreg.scatter @!p0 [tilespmem:s2], [sflag:$0x3], $0x80, v4, vm1, $0xb8;
	[tilespmem:$0x4E00] =	vst v63  }
0x6d: {  	s2 =	simm.s32 @!p0 $0x3A00  }
0x6e: {  	[hbm4b:s13+s1] =	stream.indirect_vreg.scatter @!p0 [tilespmem:s2], [sflag:$0x3], $0x80, v4, vm1, $0xb8;
	[tilespmem:$0x4E00] =	vst v63  }
0x6f: {  	s2 =	simm.s32 @!p0 $0x4200  }
0x70: {  	[hbm4b:s14+s1] =	stream.indirect_vreg.scatter @!p0 [tilespmem:s2], [sflag:$0x3], $0x80, v4, vm1, $0xb8;
	[tilespmem:$0x4E00] =	vst v63  }
0x71: {  	_ =	swait.ge [sflag:s30], $0x3000  }
0x72: {  	[sflag:s30] =	ssyncset.done $0x0  }
0x73: {  	[sflag:s30] =	ssyncadd.s32 $0xFFFFD000  }
0x74: {  	v4 =	vld [tilespmem:$0x0];
	_ =	sdelay $0x4  }
0x75: {  	v5 =	vshrl.u32 v4, $0x3  }
0x76: {  	v5 =	vmul.u32 $0x30, v5  }
0x77: {  	v4 =	vand.u32 $0x7, v4  }
0x78: {  	v4 =	vor.u32 v4, v5  }
0x79: {  	v5 =	vperm.xlane v4, v0;
	_ =	sdelay $0x1  }
0x7a: {  	v5 =	vadd.s32 v1, v5;
	_ =	sdelay $0x3  }
0x7b: {  	v4 =	vperm.xlane v4, v2  }
0x7c: {  	[hbm4b:s3+s4] =	stream.indirect_vreg.scatter [tilespmem:s17], [sflag:$0x2], $0x80, v5, vm0, $0xb8;
	[tilespmem:$0x4E00] =	vst v63  }
0x7d: {  	v4 =	vadd.s32 v1, v4  }
0x7e: {  	[hbm4b:s13+s4] =	stream.indirect_vreg.scatter [tilespmem:s18], [sflag:$0x2], $0x80, v5, vm0, $0xb8;
	[tilespmem:$0x4E00] =	vst v63  }
0x7f: {  	_ = 	snop  }
0x80: {  	[hbm4b:s14+s4] =	stream.indirect_vreg.scatter [tilespmem:s19], [sflag:$0x2], $0x80, v5, vm0, $0xb8;
	[tilespmem:$0x4E00] =	vst v63  }
0x81: {  	_ = 	snop  }
0x82: {  	[hbm4b:s3+s4] =	stream.indirect_vreg.scatter [tilespmem:s20], [sflag:$0x2], $0x80, v4, vm0, $0xb8;
	[tilespmem:$0x4E00] =	vst v63  }
0x83: {  	_ = 	snop  }
0x84: {  	[hbm4b:s13+s4] =	stream.indirect_vreg.scatter [tilespmem:s21], [sflag:$0x2], $0x80, v4, vm0, $0xb8;
	[tilespmem:$0x4E00] =	vst v63  }
0x85: {  	_ = 	snop  }
0x86: {  	[hbm4b:s14+s4] =	stream.indirect_vreg.scatter [tilespmem:s22], [sflag:$0x2], $0x80, v4, vm0, $0xb8;
	[tilespmem:$0x4E00] =	vst v63  }
0x87: {  	s1 =	simm.s32 @!p1 $0x0;
	s2 =	simm.s32 @!p1 $0x4A00;
	s5 =	rddreg [dreg:$0x4]  }
0x88: {  	[tilespmem:s2], [sflag:$0x4] =	stream.linear.gather @!p1 [hbm4b:s5+s1], $0x400, $0x38;
	[tilespmem:$0x4E00] =	vst v63  }
0x89: {  	s5 =	simm.s32 @!p1 $0x4  }
0x8a: {  	_ =	swait.ge @!p1 [sflag:s5], $0x400  }
0x8b: {  	[sflag:s5] =	ssyncset.done @!p1 $0x0  }
0x8c: {  	s6 =	rddreg [dreg:$0x5];
	[sflag:s5] =	ssyncadd.s32 @!p1 $0xFFFFFC00  }
0x8d: {  	[hbm4b:s6+s1] =	stream.linear.scatter @!p1 [tilespmem:s2], [sflag:$0x4], $0x400, $0x38;
	[tilespmem:$0x4E00] =	vst v63  }
0x8e: {  	_ =	swait.ge @!p1 [sflag:s5], $0x400  }
0x8f: {  	[sflag:s5] =	ssyncset.done @!p1 $0x0  }
0x90: {  	[sflag:s5] =	ssyncadd.s32 @!p1 $0xFFFFFC00  }
0x91: {  	_ =	swait.ge [sflag:s31], $0x1800  }
0x92: {  	[sflag:s31] =	ssyncset.done $0x0  }
0x93: {  	[sflag:s31] =	ssyncadd.s32 $0xFFFFE800  }
0x94: {  	_ =	swait.ge [sflag:s31], $0x1800  }
0x95: {  	[sflag:s31] =	ssyncset.done $0x0  }
0x96: {  	s0 =	sadd.s32 $0x1, s0;
	s1 =	simm.s32 @!p0 $0x3;
	[sflag:s31] =	ssyncadd.s32 $0xFFFFE800  }
0x97: {  	p2 =	sne.s32 s0, s15;
	_ =	swait.ge @!p0 [sflag:s1], $0x1800  }
.Ltmp1:
0x98: {  	[sflag:s1] =	ssyncset.done @!p0 $0x0;
	(pc) =	sbr.rel @p2 .LBB2_1-.Ltmp1, $4  }
0x99: {  	[sflag:s1] =	ssyncadd.s32 @!p0 $0xFFFFE800  }
0x9a: {  	_ =	swait.ge [sflag:s30], $0x3000  }
0x9b: {  	[sflag:s30] =	ssyncset.done $0x0  }
0x9c: {  	[sflag:s30] =	ssyncadd.s32 $0xFFFFD000  }
0x9d: {  	_ =	sfence.sel $0x180000  }
0x9e: {  	[bflag:$0x0] =	sbarrier.arrive $0xFFFF  }
0x9f: {  	_ =	strace $0x90000047  }
0xa0: {  	s0 =	stileid.u32;
	[bflag:$0x2] =	sbarrier.arrive $0xFFFF  }
0xa1: {  	p0 =	sne.s32 s0, $0x0;
	s0 =	rddreg [dreg:$0x3]  }
0xa2: {  	s0 =	sadd.s32 @!p0 $0x100000, s0  }
0xa3: {  	[sflag:s0] =	ssyncadd.tile.s32 @!p0 $0x1;
	_ =	shalt  }
.Lfunc_end2:
_tile_overlayer_lowered:
.L_overlay_start_2:
0xa4: {  	(tag) =	ssettag $0x2  }
0xa5: {  	s0 =	rddreg [dreg:$0x0];
	s2 =	stileid.u32  }
0xa6: {  	s1 =	rddreg [dreg:$0x1];
	p0 =	sne.s32 s2, $0x0  }
0xa7: {  	s3 =	rddreg [dreg:$0x2];
	[bflag:$0x3] =	sbarrier.arrive $0xFFFF;
	s2 =	simm.s32 @!p0 $0x1C04  }
0xa8: {  	[timem:s3], [sflag:s2] =	dma.local @!p0 [hbm:s0], s1  }
0xa9: {  	s0 =	simm.s32 @!p0 $0x4  }
0xaa: {  	_ =	swait.ge @!p0 [sflag:s0], s1  }
0xab: {  	s1 =	ssub.s32 @!p0 $0x0, s1;
	[sflag:s0] =	ssyncset.done @!p0 $0x0  }
0xac: {  	[sflag:s0] =	ssyncadd.s32 @!p0 s1  }
0xad: {  	[bflag:$0x3] =	sbarrier.arrive $0xFFFF  }
0xae: {  	_ =	shalt  }

</sc_bundles>
